<compile_context>
chip_gen: v7x
topology: tpu7x:2x2x1
jax: 0.10.2.dev20260603
libtpu: 0.0.44.dev20260713+nightly
codegen_flags: <defaults>
</compile_context>

<pallas_src>
import functools

import jax
import jax.numpy as jnp
from jax import lax
from jax.experimental import pallas as pl
from jax.experimental.pallas import tpu as pltpu
from jax.experimental.pallas import tpu_sc as plsc

N_NODES = 10000
N_EDGES = 320000
D_FEAT = 128

NC = 2
NS = 16
NW = NC * NS

W = 128
E_PER_TILE = 10240
IDX_ROWS = E_PER_TILE // W
N_IDX_PAD = NW * E_PER_TILE
WIN_LAST = (N_EDGES - (NW - 1) * E_PER_TILE) // W

N_PAD = 10240
ROWS_PER_TILE = N_PAD // NS


def _sc_partial_sums(edges, recv2d):
    mesh = plsc.VectorSubcoreMesh(
        core_axis_name="c", subcore_axis_name="s", num_cores=NC, num_subcores=NS
    )

    @functools.partial(
        pl.kernel,
        out_type=jax.ShapeDtypeStruct((NC, N_PAD, D_FEAT), jnp.float32),
        mesh=mesh,
        scratch_types=[
            pltpu.VMEM((W, D_FEAT), jnp.float32),
            pltpu.VMEM((W, D_FEAT), jnp.float32),
            pltpu.VMEM((IDX_ROWS, W), jnp.int32),
            pltpu.VMEM_SHARED((N_PAD, D_FEAT), jnp.float32),
            pltpu.SemaphoreType.DMA,
            pltpu.SemaphoreType.DMA,
        ],
    )
    def k(edges_hbm, recv_hbm, out_hbm, ebuf0, ebuf1, ibuf, acc, sl0, sl1):
        cid = lax.axis_index("c")
        sid = lax.axis_index("s")
        wid = sid * NC + cid

        zeros16 = jnp.zeros((16,), jnp.float32)

        def zero_row(i, carry):
            for j in range(D_FEAT // 16):
                ebuf0[i, pl.ds(j * 16, 16)] = zeros16
            return carry

        lax.fori_loop(0, W, zero_row, 0)
        row0 = sid * ROWS_PER_TILE
        for m in range(ROWS_PER_TILE // W):
            pltpu.sync_copy(ebuf0, acc.at[pl.ds(row0 + m * W, W)])
        plsc.subcore_barrier()

        pltpu.sync_copy(recv_hbm.at[pl.ds(wid * IDX_ROWS, IDX_ROWS)], ibuf)

        ebase = wid * E_PER_TILE
        n_win = jnp.where(wid == NW - 1, WIN_LAST, IDX_ROWS)

        def load(k_, ebuf, sem):
            pltpu.async_copy(edges_hbm.at[pl.ds(ebase + k_ * W, W)], ebuf, sem)

        def wait_load(ebuf, sem):
            pltpu.make_async_copy(edges_hbm.at[pl.ds(0, W)], ebuf, sem).wait()

        def scatter(k_, ebuf):
            pltpu.sync_copy(ebuf, acc.at[ibuf.at[k_]], add=True)

        load(0, ebuf0, sl0)
        load(1, ebuf1, sl1)

        def body(j, carry):
            k_ = 2 * j
            wait_load(ebuf0, sl0)
            scatter(k_, ebuf0)
            load(k_ + 2, ebuf0, sl0)
            wait_load(ebuf1, sl1)
            scatter(k_ + 1, ebuf1)
            load(k_ + 3, ebuf1, sl1)
            return carry

        lax.fori_loop(0, n_win // 2 - 1, body, 0)
        last = n_win - 2
        wait_load(ebuf0, sl0)
        scatter(last, ebuf0)
        wait_load(ebuf1, sl1)
        scatter(last + 1, ebuf1)

        plsc.subcore_barrier()

        pltpu.sync_copy(
            acc.at[pl.ds(row0, ROWS_PER_TILE)],
            out_hbm.at[cid, pl.ds(row0, ROWS_PER_TILE)],
        )

    return k(edges, recv2d)


def _combine_kernel(p_ref, o_ref):
    o_ref[...] = p_ref[0] + p_ref[1]


def _combine(partials):
    rows = 2000
    return pl.pallas_call(
        _combine_kernel,
        grid=(N_NODES // rows,),
        in_specs=[pl.BlockSpec((NC, rows, D_FEAT), lambda i: (0, i, 0))],
        out_specs=pl.BlockSpec((rows, D_FEAT), lambda i: (i, 0)),
        out_shape=jax.ShapeDtypeStruct((N_NODES, D_FEAT), jnp.float32),
    )(partials)


@jax.jit
def kernel(edges, senders, receivers):
    del senders
    recv = receivers.astype(jnp.int32)
    recv2d = jnp.concatenate(
        [recv, jnp.zeros((N_IDX_PAD - N_EDGES,), jnp.int32)]
    ).reshape(N_IDX_PAD // W, W)
    partials = _sc_partial_sums(edges, recv2d)
    return _combine(partials)

# --- scband reference (transcript-rebuilt; emitter-appended) ---
"""Pipeline reference for scband-edges-to-nodes-aggregator-29119878266985 (READ-ONLY COPY).

The authoritative reference and input builder live on the scoring server;
editing this copy changes nothing except your own understanding.
"""

import jax, jax.numpy as jnp
import numpy as np

N_NODES = 10000
N_EDGES = 320000
D_FEAT = 128

def setup_inputs(seed: int = 0) -> dict:
    key = jax.random.key(seed)
    k1, k2, k3 = jax.random.split(key, 3)
    edges = jax.random.normal(k1, (N_EDGES, D_FEAT), dtype=jnp.float32)
    senders = jax.random.randint(k2, (N_EDGES,), 0, N_NODES, dtype=jnp.int64 if jax.config.jax_enable_x64 else jnp.int32)
    receivers = jax.random.randint(k3, (N_EDGES,), 0, N_NODES, dtype=jnp.int64 if jax.config.jax_enable_x64 else jnp.int32)
    return {"edges": edges, "senders": senders, "receivers": receivers}

def reference(edges, senders, receivers):
    # _EdgesToNodesAggregator with use_sent_edges=False selects receivers;
    # reducer is an unsorted segment sum over num_nodes segments.
    indices = receivers  # use_sent_edges=False
    out = jax.ops.segment_sum(edges, indices, num_segments=N_NODES)
    return out

if __name__ == "__main__":
    import jax
    _d = setup_inputs()
    print(jax.jit(kernel)(*tuple(_d.values())))

</pallas_src>

<mosaic_0001>
#map = affine_map<(d0, d1) -> (0, 0)>
#map1 = affine_map<(d0, d1) -> (0, 0, 0)>
module attributes {stable_mosaic.version = 14 : i64} {
  func.func @k(%arg0: i32, %arg1: i32, %arg2: memref<320000x128xf32, #tpu.memory_space<hbm>>, %arg3: memref<2560x128xi32, #tpu.memory_space<hbm>>, %arg4: memref<2x10240x128xf32, #tpu.memory_space<hbm>>, %arg5: memref<128x128xf32, #tpu.memory_space<vmem>>, %arg6: memref<128x128xf32, #tpu.memory_space<vmem>>, %arg7: memref<80x128xi32, #tpu.memory_space<vmem>>, %arg8: memref<10240x128xf32, #tpu.memory_space<vmem_shared>>, %arg9: memref<!tpu.dma_semaphore, #tpu.memory_space<semaphore_mem>>, %arg10: memref<!tpu.dma_semaphore, #tpu.memory_space<semaphore_mem>>) attributes {dimension_semantics = [#tpu.dimension_semantics<core_parallel>, #tpu.dimension_semantics<subcore_parallel>], iteration_bounds = array<i64: 2, 16>, scalar_prefetch = 0 : i64, scratch_operands = 6 : i64, tpu.core_type = #tpu.core_type<sc_vector_subcore>, window_params = [{transform_indices = #map}, {transform_indices = #map}, {transform_indices = #map1}]} {
    %mul3A = arith.constant 2 : i32
    %mul3A_0 = arith.muli %arg1, %mul3A : i32
    %add3A = arith.addi %mul3A_0, %arg0 : i32
    %broadcast_in_dim3A = arith.constant 0.000000e+00 : f32
    %broadcast_in_dim3A_1 = vector.broadcast %broadcast_in_dim3A : f32 to vector<16xf32>
    %scan3A = arith.constant 0 : i32
    %scan3A_2 = arith.constant 0 : i32
    %scan3A_3 = arith.constant 128 : i32
    %scan3A_4 = arith.addi %scan3A_2, %scan3A_3 : i32
    %scan3A_5 = arith.constant 1 : i32
    scf.for %scan3A_81 = %scan3A_2 to %scan3A_4 step %scan3A_5  : i32 {
      %swap3A = arith.index_cast %scan3A_81 : i32 to index
      %swap3A_82 = arith.constant 0 : index
      %swap3A_83 = tpu.vector_load %arg5[%swap3A, %swap3A_82] {strides = array<i32>} : memref<128x128xf32, #tpu.memory_space<vmem>>, vector<1x16xf32>,
      %swap3A_84 = vector.shape_cast %swap3A_83 : vector<1x16xf32> to vector<16xf32>
      %swap3A_85 = vector.shape_cast %broadcast_in_dim3A_1 : vector<16xf32> to vector<1x16xf32>
      tpu.vector_store %arg5[%swap3A, %swap3A_82], %swap3A_85 {strides = array<i32>} : memref<128x128xf32, #tpu.memory_space<vmem>>, vector<1x16xf32>,
      %swap3A_86 = arith.index_cast %scan3A_81 : i32 to index
      %swap3A_87 = arith.constant 16 : index
      %swap3A_88 = tpu.vector_load %arg5[%swap3A_86, %swap3A_87] {strides = array<i32>} : memref<128x128xf32, #tpu.memory_space<vmem>>, vector<1x16xf32>,
      %swap3A_89 = vector.shape_cast %swap3A_88 : vector<1x16xf32> to vector<16xf32>
      %swap3A_90 = vector.shape_cast %broadcast_in_dim3A_1 : vector<16xf32> to vector<1x16xf32>
      tpu.vector_store %arg5[%swap3A_86, %swap3A_87], %swap3A_90 {strides = array<i32>} : memref<128x128xf32, #tpu.memory_space<vmem>>, vector<1x16xf32>,
      %swap3A_91 = arith.index_cast %scan3A_81 : i32 to index
      %swap3A_92 = arith.constant 32 : index
      %swap3A_93 = tpu.vector_load %arg5[%swap3A_91, %swap3A_92] {strides = array<i32>} : memref<128x128xf32, #tpu.memory_space<vmem>>, vector<1x16xf32>,
      %swap3A_94 = vector.shape_cast %swap3A_93 : vector<1x16xf32> to vector<16xf32>
      %swap3A_95 = vector.shape_cast %broadcast_in_dim3A_1 : vector<16xf32> to vector<1x16xf32>
      tpu.vector_store %arg5[%swap3A_91, %swap3A_92], %swap3A_95 {strides = array<i32>} : memref<128x128xf32, #tpu.memory_space<vmem>>, vector<1x16xf32>,
      %swap3A_96 = arith.index_cast %scan3A_81 : i32 to index
      %swap3A_97 = arith.constant 48 : index
      %swap3A_98 = tpu.vector_load %arg5[%swap3A_96, %swap3A_97] {strides = array<i32>} : memref<128x128xf32, #tpu.memory_space<vmem>>, vector<1x16xf32>,
      %swap3A_99 = vector.shape_cast %swap3A_98 : vector<1x16xf32> to vector<16xf32>
      %swap3A_100 = vector.shape_cast %broadcast_in_dim3A_1 : vector<16xf32> to vector<1x16xf32>
      tpu.vector_store %arg5[%swap3A_96, %swap3A_97], %swap3A_100 {strides = array<i32>} : memref<128x128xf32, #tpu.memory_space<vmem>>, vector<1x16xf32>,
      %swap3A_101 = arith.index_cast %scan3A_81 : i32 to index
      %swap3A_102 = arith.constant 64 : index
      %swap3A_103 = tpu.vector_load %arg5[%swap3A_101, %swap3A_102] {strides = array<i32>} : memref<128x128xf32, #tpu.memory_space<vmem>>, vector<1x16xf32>,
      %swap3A_104 = vector.shape_cast %swap3A_103 : vector<1x16xf32> to vector<16xf32>
      %swap3A_105 = vector.shape_cast %broadcast_in_dim3A_1 : vector<16xf32> to vector<1x16xf32>
      tpu.vector_store %arg5[%swap3A_101, %swap3A_102], %swap3A_105 {strides = array<i32>} : memref<128x128xf32, #tpu.memory_space<vmem>>, vector<1x16xf32>,
      %swap3A_106 = arith.index_cast %scan3A_81 : i32 to index
      %swap3A_107 = arith.constant 80 : index
      %swap3A_108 = tpu.vector_load %arg5[%swap3A_106, %swap3A_107] {strides = array<i32>} : memref<128x128xf32, #tpu.memory_space<vmem>>, vector<1x16xf32>,
      %swap3A_109 = vector.shape_cast %swap3A_108 : vector<1x16xf32> to vector<16xf32>
      %swap3A_110 = vector.shape_cast %broadcast_in_dim3A_1 : vector<16xf32> to vector<1x16xf32>
      tpu.vector_store %arg5[%swap3A_106, %swap3A_107], %swap3A_110 {strides = array<i32>} : memref<128x128xf32, #tpu.memory_space<vmem>>, vector<1x16xf32>,
      %swap3A_111 = arith.index_cast %scan3A_81 : i32 to index
      %swap3A_112 = arith.constant 96 : index
      %swap3A_113 = tpu.vector_load %arg5[%swap3A_111, %swap3A_112] {strides = array<i32>} : memref<128x128xf32, #tpu.memory_space<vmem>>, vector<1x16xf32>,
      %swap3A_114 = vector.shape_cast %swap3A_113 : vector<1x16xf32> to vector<16xf32>
      %swap3A_115 = vector.shape_cast %broadcast_in_dim3A_1 : vector<16xf32> to vector<1x16xf32>
      tpu.vector_store %arg5[%swap3A_111, %swap3A_112], %swap3A_115 {strides = array<i32>} : memref<128x128xf32, #tpu.memory_space<vmem>>, vector<1x16xf32>,
      %swap3A_116 = arith.index_cast %scan3A_81 : i32 to index
      %swap3A_117 = arith.constant 112 : index
      %swap3A_118 = tpu.vector_load %arg5[%swap3A_116, %swap3A_117] {strides = array<i32>} : memref<128x128xf32, #tpu.memory_space<vmem>>, vector<1x16xf32>,
      %swap3A_119 = vector.shape_cast %swap3A_118 : vector<1x16xf32> to vector<16xf32>
      %swap3A_120 = vector.shape_cast %broadcast_in_dim3A_1 : vector<16xf32> to vector<1x16xf32>
      tpu.vector_store %arg5[%swap3A_116, %swap3A_117], %swap3A_120 {strides = array<i32>} : memref<128x128xf32, #tpu.memory_space<vmem>>, vector<1x16xf32>,
    }
    %scan3A_6 = arith.constant 128 : i32
    %mul3A_7 = arith.constant 640 : i32
    %mul3A_8 = arith.muli %arg1, %mul3A_7 : i32
    %add3A_9 = arith.constant 0 : i32
    %add3A_10 = arith.addi %mul3A_8, %add3A_9 : i32
    "tpu.region"() ({
      %run_scoped3A = tpu.sem_alloc : memref<!tpu.dma_semaphore, #tpu.memory_space<semaphore_mem>>
      %dma_start3A_81 = arith.constant 0 : i32
      %dma_start3A_82 = tpu.memref_slice %arg8[%add3A_10, %dma_start3A_81] : memref<10240x128xf32, #tpu.memory_space<vmem_shared>> -> memref<128x128xf32, #tpu.memory_space<vmem_shared>>
      %dma_start3A_83 = arith.constant 0 : i32
      %dma_start3A_84 = tpu.memref_slice %arg8[%add3A_10, %dma_start3A_83] : memref<10240x128xf32, #tpu.memory_space<vmem_shared>> -> memref<128x128xf32, #tpu.memory_space<vmem_shared>>
      tpu.enqueue_dma source(%arg5 : memref<128x128xf32, #tpu.memory_space<vmem>>) target(%dma_start3A_84 : memref<128x128xf32, #tpu.memory_space<vmem_shared>>) target_semaphore(%run_scoped3A : memref<!tpu.dma_semaphore, #tpu.memory_space<semaphore_mem>>)
      %dma_wait3A_85 = arith.constant 0 : i32
      %dma_wait3A_86 = tpu.memref_slice %arg8[%add3A_10, %dma_wait3A_85] : memref<10240x128xf32, #tpu.memory_space<vmem_shared>> -> memref<128x128xf32, #tpu.memory_space<vmem_shared>>
      %dma_wait3A_87 = arith.constant 0 : i32
      %dma_wait3A_88 = tpu.memref_slice %arg8[%add3A_10, %dma_wait3A_87] : memref<10240x128xf32, #tpu.memory_space<vmem_shared>> -> memref<128x128xf32, #tpu.memory_space<vmem_shared>>
      tpu.wait_dma2 semaphore(%run_scoped3A : memref<!tpu.dma_semaphore, #tpu.memory_space<semaphore_mem>>) src(%arg5 : memref<128x128xf32, #tpu.memory_space<vmem>>) dst(%dma_wait3A_88 : memref<128x128xf32, #tpu.memory_space<vmem_shared>>)
      tpu.yield
    }) : () -> ()
    %add3A_11 = arith.constant 128 : i32
    %add3A_12 = arith.addi %mul3A_8, %add3A_11 : i32
    "tpu.region"() ({
      %run_scoped3A = tpu.sem_alloc : memref<!tpu.dma_semaphore, #tpu.memory_space<semaphore_mem>>
      %dma_start3A_81 = arith.constant 0 : i32
      %dma_start3A_82 = tpu.memref_slice %arg8[%add3A_12, %dma_start3A_81] : memref<10240x128xf32, #tpu.memory_space<vmem_shared>> -> memref<128x128xf32, #tpu.memory_space<vmem_shared>>
      %dma_start3A_83 = arith.constant 0 : i32
      %dma_start3A_84 = tpu.memref_slice %arg8[%add3A_12, %dma_start3A_83] : memref<10240x128xf32, #tpu.memory_space<vmem_shared>> -> memref<128x128xf32, #tpu.memory_space<vmem_shared>>
      tpu.enqueue_dma source(%arg5 : memref<128x128xf32, #tpu.memory_space<vmem>>) target(%dma_start3A_84 : memref<128x128xf32, #tpu.memory_space<vmem_shared>>) target_semaphore(%run_scoped3A : memref<!tpu.dma_semaphore, #tpu.memory_space<semaphore_mem>>)
      %dma_wait3A_85 = arith.constant 0 : i32
      %dma_wait3A_86 = tpu.memref_slice %arg8[%add3A_12, %dma_wait3A_85] : memref<10240x128xf32, #tpu.memory_space<vmem_shared>> -> memref<128x128xf32, #tpu.memory_space<vmem_shared>>
      %dma_wait3A_87 = arith.constant 0 : i32
      %dma_wait3A_88 = tpu.memref_slice %arg8[%add3A_12, %dma_wait3A_87] : memref<10240x128xf32, #tpu.memory_space<vmem_shared>> -> memref<128x128xf32, #tpu.memory_space<vmem_shared>>
      tpu.wait_dma2 semaphore(%run_scoped3A : memref<!tpu.dma_semaphore, #tpu.memory_space<semaphore_mem>>) src(%arg5 : memref<128x128xf32, #tpu.memory_space<vmem>>) dst(%dma_wait3A_88 : memref<128x128xf32, #tpu.memory_space<vmem_shared>>)
      tpu.yield
    }) : () -> ()
    %add3A_13 = arith.constant 256 : i32
    %add3A_14 = arith.addi %mul3A_8, %add3A_13 : i32
    "tpu.region"() ({
      %run_scoped3A = tpu.sem_alloc : memref<!tpu.dma_semaphore, #tpu.memory_space<semaphore_mem>>
      %dma_start3A_81 = arith.constant 0 : i32
      %dma_start3A_82 = tpu.memref_slice %arg8[%add3A_14, %dma_start3A_81] : memref<10240x128xf32, #tpu.memory_space<vmem_shared>> -> memref<128x128xf32, #tpu.memory_space<vmem_shared>>
      %dma_start3A_83 = arith.constant 0 : i32
      %dma_start3A_84 = tpu.memref_slice %arg8[%add3A_14, %dma_start3A_83] : memref<10240x128xf32, #tpu.memory_space<vmem_shared>> -> memref<128x128xf32, #tpu.memory_space<vmem_shared>>
      tpu.enqueue_dma source(%arg5 : memref<128x128xf32, #tpu.memory_space<vmem>>) target(%dma_start3A_84 : memref<128x128xf32, #tpu.memory_space<vmem_shared>>) target_semaphore(%run_scoped3A : memref<!tpu.dma_semaphore, #tpu.memory_space<semaphore_mem>>)
      %dma_wait3A_85 = arith.constant 0 : i32
      %dma_wait3A_86 = tpu.memref_slice %arg8[%add3A_14, %dma_wait3A_85] : memref<10240x128xf32, #tpu.memory_space<vmem_shared>> -> memref<128x128xf32, #tpu.memory_space<vmem_shared>>
      %dma_wait3A_87 = arith.constant 0 : i32
      %dma_wait3A_88 = tpu.memref_slice %arg8[%add3A_14, %dma_wait3A_87] : memref<10240x128xf32, #tpu.memory_space<vmem_shared>> -> memref<128x128xf32, #tpu.memory_space<vmem_shared>>
      tpu.wait_dma2 semaphore(%run_scoped3A : memref<!tpu.dma_semaphore, #tpu.memory_space<semaphore_mem>>) src(%arg5 : memref<128x128xf32, #tpu.memory_space<vmem>>) dst(%dma_wait3A_88 : memref<128x128xf32, #tpu.memory_space<vmem_shared>>)
      tpu.yield
    }) : () -> ()
    %add3A_15 = arith.constant 384 : i32
    %add3A_16 = arith.addi %mul3A_8, %add3A_15 : i32
    "tpu.region"() ({
      %run_scoped3A = tpu.sem_alloc : memref<!tpu.dma_semaphore, #tpu.memory_space<semaphore_mem>>
      %dma_start3A_81 = arith.constant 0 : i32
      %dma_start3A_82 = tpu.memref_slice %arg8[%add3A_16, %dma_start3A_81] : memref<10240x128xf32, #tpu.memory_space<vmem_shared>> -> memref<128x128xf32, #tpu.memory_space<vmem_shared>>
      %dma_start3A_83 = arith.constant 0 : i32
      %dma_start3A_84 = tpu.memref_slice %arg8[%add3A_16, %dma_start3A_83] : memref<10240x128xf32, #tpu.memory_space<vmem_shared>> -> memref<128x128xf32, #tpu.memory_space<vmem_shared>>
      tpu.enqueue_dma source(%arg5 : memref<128x128xf32, #tpu.memory_space<vmem>>) target(%dma_start3A_84 : memref<128x128xf32, #tpu.memory_space<vmem_shared>>) target_semaphore(%run_scoped3A : memref<!tpu.dma_semaphore, #tpu.memory_space<semaphore_mem>>)
      %dma_wait3A_85 = arith.constant 0 : i32
      %dma_wait3A_86 = tpu.memref_slice %arg8[%add3A_16, %dma_wait3A_85] : memref<10240x128xf32, #tpu.memory_space<vmem_shared>> -> memref<128x128xf32, #tpu.memory_space<vmem_shared>>
      %dma_wait3A_87 = arith.constant 0 : i32
      %dma_wait3A_88 = tpu.memref_slice %arg8[%add3A_16, %dma_wait3A_87] : memref<10240x128xf32, #tpu.memory_space<vmem_shared>> -> memref<128x128xf32, #tpu.memory_space<vmem_shared>>
      tpu.wait_dma2 semaphore(%run_scoped3A : memref<!tpu.dma_semaphore, #tpu.memory_space<semaphore_mem>>) src(%arg5 : memref<128x128xf32, #tpu.memory_space<vmem>>) dst(%dma_wait3A_88 : memref<128x128xf32, #tpu.memory_space<vmem_shared>>)
      tpu.yield
    }) : () -> ()
    %add3A_17 = arith.constant 512 : i32
    %add3A_18 = arith.addi %mul3A_8, %add3A_17 : i32
    "tpu.region"() ({
      %run_scoped3A = tpu.sem_alloc : memref<!tpu.dma_semaphore, #tpu.memory_space<semaphore_mem>>
      %dma_start3A_81 = arith.constant 0 : i32
      %dma_start3A_82 = tpu.memref_slice %arg8[%add3A_18, %dma_start3A_81] : memref<10240x128xf32, #tpu.memory_space<vmem_shared>> -> memref<128x128xf32, #tpu.memory_space<vmem_shared>>
      %dma_start3A_83 = arith.constant 0 : i32
      %dma_start3A_84 = tpu.memref_slice %arg8[%add3A_18, %dma_start3A_83] : memref<10240x128xf32, #tpu.memory_space<vmem_shared>> -> memref<128x128xf32, #tpu.memory_space<vmem_shared>>
      tpu.enqueue_dma source(%arg5 : memref<128x128xf32, #tpu.memory_space<vmem>>) target(%dma_start3A_84 : memref<128x128xf32, #tpu.memory_space<vmem_shared>>) target_semaphore(%run_scoped3A : memref<!tpu.dma_semaphore, #tpu.memory_space<semaphore_mem>>)
      %dma_wait3A_85 = arith.constant 0 : i32
      %dma_wait3A_86 = tpu.memref_slice %arg8[%add3A_18, %dma_wait3A_85] : memref<10240x128xf32, #tpu.memory_space<vmem_shared>> -> memref<128x128xf32, #tpu.memory_space<vmem_shared>>
      %dma_wait3A_87 = arith.constant 0 : i32
      %dma_wait3A_88 = tpu.memref_slice %arg8[%add3A_18, %dma_wait3A_87] : memref<10240x128xf32, #tpu.memory_space<vmem_shared>> -> memref<128x128xf32, #tpu.memory_space<vmem_shared>>
      tpu.wait_dma2 semaphore(%run_scoped3A : memref<!tpu.dma_semaphore, #tpu.memory_space<semaphore_mem>>) src(%arg5 : memref<128x128xf32, #tpu.memory_space<vmem>>) dst(%dma_wait3A_88 : memref<128x128xf32, #tpu.memory_space<vmem_shared>>)
      tpu.yield
    }) : () -> ()
    %barrier3A = arith.constant 0 : index
    tpu.barrier barrier_id(%barrier3A)
    %mul3A_19 = arith.constant 80 : i32
    %mul3A_20 = arith.muli %add3A, %mul3A_19 : i32
    "tpu.region"() ({
      %run_scoped3A = tpu.sem_alloc : memref<!tpu.dma_semaphore, #tpu.memory_space<semaphore_mem>>
      %dma_start3A_81 = arith.constant 0 : i32
      %dma_start3A_82 = tpu.memref_slice %arg3[%mul3A_20, %dma_start3A_81] : memref<2560x128xi32, #tpu.memory_space<hbm>> -> memref<80x128xi32, #tpu.memory_space<hbm>>
      %dma_start3A_83 = arith.constant 0 : i32
      %dma_start3A_84 = tpu.memref_slice %arg3[%mul3A_20, %dma_start3A_83] : memref<2560x128xi32, #tpu.memory_space<hbm>> -> memref<80x128xi32, #tpu.memory_space<hbm>>
      tpu.enqueue_dma source(%dma_start3A_84 : memref<80x128xi32, #tpu.memory_space<hbm>>) target(%arg7 : memref<80x128xi32, #tpu.memory_space<vmem>>) target_semaphore(%run_scoped3A : memref<!tpu.dma_semaphore, #tpu.memory_space<semaphore_mem>>)
      %dma_wait3A_85 = arith.constant 0 : i32
      %dma_wait3A_86 = tpu.memref_slice %arg3[%mul3A_20, %dma_wait3A_85] : memref<2560x128xi32, #tpu.memory_space<hbm>> -> memref<80x128xi32, #tpu.memory_space<hbm>>
      %dma_wait3A_87 = arith.constant 0 : i32
      %dma_wait3A_88 = tpu.memref_slice %arg3[%mul3A_20, %dma_wait3A_87] : memref<2560x128xi32, #tpu.memory_space<hbm>> -> memref<80x128xi32, #tpu.memory_space<hbm>>
      tpu.wait_dma2 semaphore(%run_scoped3A : memref<!tpu.dma_semaphore, #tpu.memory_space<semaphore_mem>>) src(%dma_wait3A_88 : memref<80x128xi32, #tpu.memory_space<hbm>>) dst(%arg7 : memref<80x128xi32, #tpu.memory_space<vmem>>)
      tpu.yield
    }) : () -> ()
    %mul3A_21 = arith.constant 10240 : i32
    %mul3A_22 = arith.muli %add3A, %mul3A_21 : i32
    %eq3A = arith.constant 31 : i32
    %eq3A_23 = arith.cmpi eq, %add3A, %eq3A : i32
    %jit3A = arith.constant 20 : i32
    %jit3A_24 = arith.constant 80 : i32
    %select_n3A = arith.select %eq3A_23, %jit3A, %jit3A_24 : i32
    %add3A_25 = arith.constant 0 : i32
    %add3A_26 = arith.addi %mul3A_22, %add3A_25 : i32
    %dma_start3A = arith.constant 0 : i32
    %dma_start3A_27 = tpu.memref_slice %arg2[%add3A_26, %dma_start3A] : memref<320000x128xf32, #tpu.memory_space<hbm>> -> memref<128x128xf32, #tpu.memory_space<hbm>>
    %dma_start3A_28 = arith.constant 0 : i32
    %dma_start3A_29 = tpu.memref_slice %arg2[%add3A_26, %dma_start3A_28] : memref<320000x128xf32, #tpu.memory_space<hbm>> -> memref<128x128xf32, #tpu.memory_space<hbm>>
    tpu.enqueue_dma source(%dma_start3A_29 : memref<128x128xf32, #tpu.memory_space<hbm>>) target(%arg5 : memref<128x128xf32, #tpu.memory_space<vmem>>) target_semaphore(%arg9 : memref<!tpu.dma_semaphore, #tpu.memory_space<semaphore_mem>>)
    %add3A_30 = arith.constant 128 : i32
    %add3A_31 = arith.addi %mul3A_22, %add3A_30 : i32
    %dma_start3A_32 = arith.constant 0 : i32
    %dma_start3A_33 = tpu.memref_slice %arg2[%add3A_31, %dma_start3A_32] : memref<320000x128xf32, #tpu.memory_space<hbm>> -> memref<128x128xf32, #tpu.memory_space<hbm>>
    %dma_start3A_34 = arith.constant 0 : i32
    %dma_start3A_35 = tpu.memref_slice %arg2[%add3A_31, %dma_start3A_34] : memref<320000x128xf32, #tpu.memory_space<hbm>> -> memref<128x128xf32, #tpu.memory_space<hbm>>
    tpu.enqueue_dma source(%dma_start3A_35 : memref<128x128xf32, #tpu.memory_space<hbm>>) target(%arg6 : memref<128x128xf32, #tpu.memory_space<vmem>>) target_semaphore(%arg10 : memref<!tpu.dma_semaphore, #tpu.memory_space<semaphore_mem>>)
    %jit3A_36 = arith.constant 2 : i32
    %div3A = arith.divsi %select_n3A, %jit3A_36 : i32
    %sign3A = arith.constant 0 : i32
    %sign3A_37 = arith.cmpi sgt, %select_n3A, %sign3A : i32
    %sign3A_38 = arith.extui %sign3A_37 : i1 to i32
    %sign3A_39 = arith.constant 0 : i32
    %sign3A_40 = arith.cmpi slt, %select_n3A, %sign3A_39 : i32
    %sign3A_41 = arith.extui %sign3A_40 : i1 to i32
    %sign3A_42 = arith.subi %sign3A_38, %sign3A_41 : i32
    %sign3A_43 = arith.constant 0 : i32
    %sign3A_44 = arith.cmpi sgt, %jit3A_36, %sign3A_43 : i32
    %sign3A_45 = arith.extui %sign3A_44 : i1 to i32
    %sign3A_46 = arith.constant 0 : i32
    %sign3A_47 = arith.cmpi slt, %jit3A_36, %sign3A_46 : i32
    %sign3A_48 = arith.extui %sign3A_47 : i1 to i32
    %sign3A_49 = arith.subi %sign3A_45, %sign3A_48 : i32
    %ne3A = arith.cmpi ne, %sign3A_42, %sign3A_49 : i32
    %rem3A = arith.remsi %select_n3A, %jit3A_36 : i32
    %ne3A_50 = arith.constant 0 : i32
    %ne3A_51 = arith.cmpi ne, %rem3A, %ne3A_50 : i32
    %and3A = arith.andi %ne3A, %ne3A_51 : i1
    %sub3A = arith.constant 1 : i32
    %sub3A_52 = arith.subi %div3A, %sub3A : i32
    %select_n3A_53 = arith.select %and3A, %sub3A_52, %div3A : i32
    %sub3A_54 = arith.constant 1 : i32
    %sub3A_55 = arith.subi %select_n3A_53, %sub3A_54 : i32
    %while3A = arith.constant 0 : i32
    %while3A_56 = arith.constant 0 : i32
    %while3A_57 = arith.subi %sub3A_55, %while3A_56 : i32
    %while3A_58 = arith.addi %while3A_56, %while3A_57 : i32
    %while3A_59 = arith.constant 1 : i32
    %while3A_60 = arith.divsi %while3A_57, %while3A_59 : i32
    %while3A_61 = arith.muli %while3A_60, %while3A_59 : i32
    %while3A_62 = arith.addi %while3A_56, %while3A_61 : i32
    %while3A_63 = arith.constant 1 : i32
    scf.for %while3A_81 = %while3A_56 to %while3A_62 step %while3A_63  : i32 {
      %mul3A_82 = arith.constant 2 : i32
      %mul3A_83 = arith.muli %mul3A_82, %while3A_81 : i32
      %dma_wait3A_84 = arith.constant 0 : i32
      %dma_wait3A_85 = arith.constant 0 : i32
      %dma_wait3A_86 = tpu.memref_slice %arg2[%dma_wait3A_84, %dma_wait3A_85] : memref<320000x128xf32, #tpu.memory_space<hbm>> -> memref<128x128xf32, #tpu.memory_space<hbm>>
      %dma_wait3A_87 = arith.constant 0 : i32
      %dma_wait3A_88 = arith.constant 0 : i32
      %dma_wait3A_89 = tpu.memref_slice %arg2[%dma_wait3A_87, %dma_wait3A_88] : memref<320000x128xf32, #tpu.memory_space<hbm>> -> memref<128x128xf32, #tpu.memory_space<hbm>>
      tpu.wait_dma2 semaphore(%arg9 : memref<!tpu.dma_semaphore, #tpu.memory_space<semaphore_mem>>) src(%dma_wait3A_89 : memref<128x128xf32, #tpu.memory_space<hbm>>) dst(%arg5 : memref<128x128xf32, #tpu.memory_space<vmem>>)
      "tpu.region"() ({
        %run_scoped3A = tpu.sem_alloc : memref<!tpu.dma_semaphore, #tpu.memory_space<semaphore_mem>>
        %dma_start3A_116 = arith.constant 0 : i32
        %dma_start3A_117 = tpu.memref_slice %arg7[%mul3A_83, %dma_start3A_116] : memref<80x128xi32, #tpu.memory_space<vmem>> -> memref<1x128xi32, #tpu.memory_space<vmem>>
        %dma_start3A_118 = tpu.memref_squeeze %dma_start3A_117 : memref<1x128xi32, #tpu.memory_space<vmem>> -> memref<128xi32, #tpu.memory_space<vmem>>
        %dma_start3A_119 = arith.constant 0 : i32
        %dma_start3A_120 = arith.constant 0 : i32
        %dma_start3A_121 = tpu.memref_slice %arg8[%dma_start3A_119, %dma_start3A_120] : memref<10240x128xf32, #tpu.memory_space<vmem_shared>> -> memref<10240x128xf32, #tpu.memory_space<vmem_shared>>
        tpu.enqueue_indirect_dma source(%arg5 : memref<128x128xf32, #tpu.memory_space<vmem>>) target(%dma_start3A_121 : memref<10240x128xf32, #tpu.memory_space<vmem_shared>>) offsets(%dma_start3A_118 : memref<128xi32, #tpu.memory_space<vmem>>) semaphore(%run_scoped3A : memref<!tpu.dma_semaphore, #tpu.memory_space<semaphore_mem>>) {add = true}
        %dma_wait3A_122 = arith.constant 0 : i32
        %dma_wait3A_123 = tpu.memref_slice %arg7[%mul3A_83, %dma_wait3A_122] : memref<80x128xi32, #tpu.memory_space<vmem>> -> memref<1x128xi32, #tpu.memory_space<vmem>>
        %dma_wait3A_124 = tpu.memref_squeeze %dma_wait3A_123 : memref<1x128xi32, #tpu.memory_space<vmem>> -> memref<128xi32, #tpu.memory_space<vmem>>
        %dma_wait3A_125 = arith.constant 0 : i32
        %dma_wait3A_126 = arith.constant 0 : i32
        %dma_wait3A_127 = tpu.memref_slice %arg8[%dma_wait3A_125, %dma_wait3A_126] : memref<10240x128xf32, #tpu.memory_space<vmem_shared>> -> memref<10240x128xf32, #tpu.memory_space<vmem_shared>>
        tpu.wait_indirect_dma semaphore(%run_scoped3A : memref<!tpu.dma_semaphore, #tpu.memory_space<semaphore_mem>>) src(%arg5 : memref<128x128xf32, #tpu.memory_space<vmem>>) dst(%dma_wait3A_127 : memref<10240x128xf32, #tpu.memory_space<vmem_shared>>)
        tpu.yield
      }) : () -> ()
      %add3A_90 = arith.constant 2 : i32
      %add3A_91 = arith.addi %mul3A_83, %add3A_90 : i32
      %mul3A_92 = arith.constant 128 : i32
      %mul3A_93 = arith.muli %add3A_91, %mul3A_92 : i32
      %add3A_94 = arith.addi %mul3A_22, %mul3A_93 : i32
      %dma_start3A_95 = arith.constant 0 : i32
      %dma_start3A_96 = tpu.memref_slice %arg2[%add3A_94, %dma_start3A_95] : memref<320000x128xf32, #tpu.memory_space<hbm>> -> memref<128x128xf32, #tpu.memory_space<hbm>>
      %dma_start3A_97 = arith.constant 0 : i32
      %dma_start3A_98 = tpu.memref_slice %arg2[%add3A_94, %dma_start3A_97] : memref<320000x128xf32, #tpu.memory_space<hbm>> -> memref<128x128xf32, #tpu.memory_space<hbm>>
      tpu.enqueue_dma source(%dma_start3A_98 : memref<128x128xf32, #tpu.memory_space<hbm>>) target(%arg5 : memref<128x128xf32, #tpu.memory_space<vmem>>) target_semaphore(%arg9 : memref<!tpu.dma_semaphore, #tpu.memory_space<semaphore_mem>>)
      %dma_wait3A_99 = arith.constant 0 : i32
      %dma_wait3A_100 = arith.constant 0 : i32
      %dma_wait3A_101 = tpu.memref_slice %arg2[%dma_wait3A_99, %dma_wait3A_100] : memref<320000x128xf32, #tpu.memory_space<hbm>> -> memref<128x128xf32, #tpu.memory_space<hbm>>
      %dma_wait3A_102 = arith.constant 0 : i32
      %dma_wait3A_103 = arith.constant 0 : i32
      %dma_wait3A_104 = tpu.memref_slice %arg2[%dma_wait3A_102, %dma_wait3A_103] : memref<320000x128xf32, #tpu.memory_space<hbm>> -> memref<128x128xf32, #tpu.memory_space<hbm>>
      tpu.wait_dma2 semaphore(%arg10 : memref<!tpu.dma_semaphore, #tpu.memory_space<semaphore_mem>>) src(%dma_wait3A_104 : memref<128x128xf32, #tpu.memory_space<hbm>>) dst(%arg6 : memref<128x128xf32, #tpu.memory_space<vmem>>)
      %add3A_105 = arith.constant 1 : i32
      %add3A_106 = arith.addi %mul3A_83, %add3A_105 : i32
      "tpu.region"() ({
        %run_scoped3A = tpu.sem_alloc : memref<!tpu.dma_semaphore, #tpu.memory_space<semaphore_mem>>
        %dma_start3A_116 = arith.constant 0 : i32
        %dma_start3A_117 = tpu.memref_slice %arg7[%add3A_106, %dma_start3A_116] : memref<80x128xi32, #tpu.memory_space<vmem>> -> memref<1x128xi32, #tpu.memory_space<vmem>>
        %dma_start3A_118 = tpu.memref_squeeze %dma_start3A_117 : memref<1x128xi32, #tpu.memory_space<vmem>> -> memref<128xi32, #tpu.memory_space<vmem>>
        %dma_start3A_119 = arith.constant 0 : i32
        %dma_start3A_120 = arith.constant 0 : i32
        %dma_start3A_121 = tpu.memref_slice %arg8[%dma_start3A_119, %dma_start3A_120] : memref<10240x128xf32, #tpu.memory_space<vmem_shared>> -> memref<10240x128xf32, #tpu.memory_space<vmem_shared>>
        tpu.enqueue_indirect_dma source(%arg6 : memref<128x128xf32, #tpu.memory_space<vmem>>) target(%dma_start3A_121 : memref<10240x128xf32, #tpu.memory_space<vmem_shared>>) offsets(%dma_start3A_118 : memref<128xi32, #tpu.memory_space<vmem>>) semaphore(%run_scoped3A : memref<!tpu.dma_semaphore, #tpu.memory_space<semaphore_mem>>) {add = true}
        %dma_wait3A_122 = arith.constant 0 : i32
        %dma_wait3A_123 = tpu.memref_slice %arg7[%add3A_106, %dma_wait3A_122] : memref<80x128xi32, #tpu.memory_space<vmem>> -> memref<1x128xi32, #tpu.memory_space<vmem>>
        %dma_wait3A_124 = tpu.memref_squeeze %dma_wait3A_123 : memref<1x128xi32, #tpu.memory_space<vmem>> -> memref<128xi32, #tpu.memory_space<vmem>>
        %dma_wait3A_125 = arith.constant 0 : i32
        %dma_wait3A_126 = arith.constant 0 : i32
        %dma_wait3A_127 = tpu.memref_slice %arg8[%dma_wait3A_125, %dma_wait3A_126] : memref<10240x128xf32, #tpu.memory_space<vmem_shared>> -> memref<10240x128xf32, #tpu.memory_space<vmem_shared>>
        tpu.wait_indirect_dma semaphore(%run_scoped3A : memref<!tpu.dma_semaphore, #tpu.memory_space<semaphore_mem>>) src(%arg6 : memref<128x128xf32, #tpu.memory_space<vmem>>) dst(%dma_wait3A_127 : memref<10240x128xf32, #tpu.memory_space<vmem_shared>>)
        tpu.yield
      }) : () -> ()
      %add3A_107 = arith.constant 3 : i32
      %add3A_108 = arith.addi %mul3A_83, %add3A_107 : i32
      %mul3A_109 = arith.constant 128 : i32
      %mul3A_110 = arith.muli %add3A_108, %mul3A_109 : i32
      %add3A_111 = arith.addi %mul3A_22, %mul3A_110 : i32
      %dma_start3A_112 = arith.constant 0 : i32
      %dma_start3A_113 = tpu.memref_slice %arg2[%add3A_111, %dma_start3A_112] : memref<320000x128xf32, #tpu.memory_space<hbm>> -> memref<128x128xf32, #tpu.memory_space<hbm>>
      %dma_start3A_114 = arith.constant 0 : i32
      %dma_start3A_115 = tpu.memref_slice %arg2[%add3A_111, %dma_start3A_114] : memref<320000x128xf32, #tpu.memory_space<hbm>> -> memref<128x128xf32, #tpu.memory_space<hbm>>
      tpu.enqueue_dma source(%dma_start3A_115 : memref<128x128xf32, #tpu.memory_space<hbm>>) target(%arg6 : memref<128x128xf32, #tpu.memory_space<vmem>>) target_semaphore(%arg10 : memref<!tpu.dma_semaphore, #tpu.memory_space<semaphore_mem>>)
    }
    %while3A_64 = arith.constant 1 : i32
    scf.for %while3A_81 = %while3A_62 to %while3A_58 step %while3A_64  : i32 {
      %mul3A_82 = arith.constant 2 : i32
      %mul3A_83 = arith.muli %mul3A_82, %while3A_81 : i32
      %dma_wait3A_84 = arith.constant 0 : i32
      %dma_wait3A_85 = arith.constant 0 : i32
      %dma_wait3A_86 = tpu.memref_slice %arg2[%dma_wait3A_84, %dma_wait3A_85] : memref<320000x128xf32, #tpu.memory_space<hbm>> -> memref<128x128xf32, #tpu.memory_space<hbm>>
      %dma_wait3A_87 = arith.constant 0 : i32
      %dma_wait3A_88 = arith.constant 0 : i32
      %dma_wait3A_89 = tpu.memref_slice %arg2[%dma_wait3A_87, %dma_wait3A_88] : memref<320000x128xf32, #tpu.memory_space<hbm>> -> memref<128x128xf32, #tpu.memory_space<hbm>>
      tpu.wait_dma2 semaphore(%arg9 : memref<!tpu.dma_semaphore, #tpu.memory_space<semaphore_mem>>) src(%dma_wait3A_89 : memref<128x128xf32, #tpu.memory_space<hbm>>) dst(%arg5 : memref<128x128xf32, #tpu.memory_space<vmem>>)
      "tpu.region"() ({
        %run_scoped3A = tpu.sem_alloc : memref<!tpu.dma_semaphore, #tpu.memory_space<semaphore_mem>>
        %dma_start3A_116 = arith.constant 0 : i32
        %dma_start3A_117 = tpu.memref_slice %arg7[%mul3A_83, %dma_start3A_116] : memref<80x128xi32, #tpu.memory_space<vmem>> -> memref<1x128xi32, #tpu.memory_space<vmem>>
        %dma_start3A_118 = tpu.memref_squeeze %dma_start3A_117 : memref<1x128xi32, #tpu.memory_space<vmem>> -> memref<128xi32, #tpu.memory_space<vmem>>
        %dma_start3A_119 = arith.constant 0 : i32
        %dma_start3A_120 = arith.constant 0 : i32
        %dma_start3A_121 = tpu.memref_slice %arg8[%dma_start3A_119, %dma_start3A_120] : memref<10240x128xf32, #tpu.memory_space<vmem_shared>> -> memref<10240x128xf32, #tpu.memory_space<vmem_shared>>
        tpu.enqueue_indirect_dma source(%arg5 : memref<128x128xf32, #tpu.memory_space<vmem>>) target(%dma_start3A_121 : memref<10240x128xf32, #tpu.memory_space<vmem_shared>>) offsets(%dma_start3A_118 : memref<128xi32, #tpu.memory_space<vmem>>) semaphore(%run_scoped3A : memref<!tpu.dma_semaphore, #tpu.memory_space<semaphore_mem>>) {add = true}
        %dma_wait3A_122 = arith.constant 0 : i32
        %dma_wait3A_123 = tpu.memref_slice %arg7[%mul3A_83, %dma_wait3A_122] : memref<80x128xi32, #tpu.memory_space<vmem>> -> memref<1x128xi32, #tpu.memory_space<vmem>>
        %dma_wait3A_124 = tpu.memref_squeeze %dma_wait3A_123 : memref<1x128xi32, #tpu.memory_space<vmem>> -> memref<128xi32, #tpu.memory_space<vmem>>
        %dma_wait3A_125 = arith.constant 0 : i32
        %dma_wait3A_126 = arith.constant 0 : i32
        %dma_wait3A_127 = tpu.memref_slice %arg8[%dma_wait3A_125, %dma_wait3A_126] : memref<10240x128xf32, #tpu.memory_space<vmem_shared>> -> memref<10240x128xf32, #tpu.memory_space<vmem_shared>>
        tpu.wait_indirect_dma semaphore(%run_scoped3A : memref<!tpu.dma_semaphore, #tpu.memory_space<semaphore_mem>>) src(%arg5 : memref<128x128xf32, #tpu.memory_space<vmem>>) dst(%dma_wait3A_127 : memref<10240x128xf32, #tpu.memory_space<vmem_shared>>)
        tpu.yield
      }) : () -> ()
      %add3A_90 = arith.constant 2 : i32
      %add3A_91 = arith.addi %mul3A_83, %add3A_90 : i32
      %mul3A_92 = arith.constant 128 : i32
      %mul3A_93 = arith.muli %add3A_91, %mul3A_92 : i32
      %add3A_94 = arith.addi %mul3A_22, %mul3A_93 : i32
      %dma_start3A_95 = arith.constant 0 : i32
      %dma_start3A_96 = tpu.memref_slice %arg2[%add3A_94, %dma_start3A_95] : memref<320000x128xf32, #tpu.memory_space<hbm>> -> memref<128x128xf32, #tpu.memory_space<hbm>>
      %dma_start3A_97 = arith.constant 0 : i32
      %dma_start3A_98 = tpu.memref_slice %arg2[%add3A_94, %dma_start3A_97] : memref<320000x128xf32, #tpu.memory_space<hbm>> -> memref<128x128xf32, #tpu.memory_space<hbm>>
      tpu.enqueue_dma source(%dma_start3A_98 : memref<128x128xf32, #tpu.memory_space<hbm>>) target(%arg5 : memref<128x128xf32, #tpu.memory_space<vmem>>) target_semaphore(%arg9 : memref<!tpu.dma_semaphore, #tpu.memory_space<semaphore_mem>>)
      %dma_wait3A_99 = arith.constant 0 : i32
      %dma_wait3A_100 = arith.constant 0 : i32
      %dma_wait3A_101 = tpu.memref_slice %arg2[%dma_wait3A_99, %dma_wait3A_100] : memref<320000x128xf32, #tpu.memory_space<hbm>> -> memref<128x128xf32, #tpu.memory_space<hbm>>
      %dma_wait3A_102 = arith.constant 0 : i32
      %dma_wait3A_103 = arith.constant 0 : i32
      %dma_wait3A_104 = tpu.memref_slice %arg2[%dma_wait3A_102, %dma_wait3A_103] : memref<320000x128xf32, #tpu.memory_space<hbm>> -> memref<128x128xf32, #tpu.memory_space<hbm>>
      tpu.wait_dma2 semaphore(%arg10 : memref<!tpu.dma_semaphore, #tpu.memory_space<semaphore_mem>>) src(%dma_wait3A_104 : memref<128x128xf32, #tpu.memory_space<hbm>>) dst(%arg6 : memref<128x128xf32, #tpu.memory_space<vmem>>)
      %add3A_105 = arith.constant 1 : i32
      %add3A_106 = arith.addi %mul3A_83, %add3A_105 : i32
      "tpu.region"() ({
        %run_scoped3A = tpu.sem_alloc : memref<!tpu.dma_semaphore, #tpu.memory_space<semaphore_mem>>
        %dma_start3A_116 = arith.constant 0 : i32
        %dma_start3A_117 = tpu.memref_slice %arg7[%add3A_106, %dma_start3A_116] : memref<80x128xi32, #tpu.memory_space<vmem>> -> memref<1x128xi32, #tpu.memory_space<vmem>>
        %dma_start3A_118 = tpu.memref_squeeze %dma_start3A_117 : memref<1x128xi32, #tpu.memory_space<vmem>> -> memref<128xi32, #tpu.memory_space<vmem>>
        %dma_start3A_119 = arith.constant 0 : i32
        %dma_start3A_120 = arith.constant 0 : i32
        %dma_start3A_121 = tpu.memref_slice %arg8[%dma_start3A_119, %dma_start3A_120] : memref<10240x128xf32, #tpu.memory_space<vmem_shared>> -> memref<10240x128xf32, #tpu.memory_space<vmem_shared>>
        tpu.enqueue_indirect_dma source(%arg6 : memref<128x128xf32, #tpu.memory_space<vmem>>) target(%dma_start3A_121 : memref<10240x128xf32, #tpu.memory_space<vmem_shared>>) offsets(%dma_start3A_118 : memref<128xi32, #tpu.memory_space<vmem>>) semaphore(%run_scoped3A : memref<!tpu.dma_semaphore, #tpu.memory_space<semaphore_mem>>) {add = true}
        %dma_wait3A_122 = arith.constant 0 : i32
        %dma_wait3A_123 = tpu.memref_slice %arg7[%add3A_106, %dma_wait3A_122] : memref<80x128xi32, #tpu.memory_space<vmem>> -> memref<1x128xi32, #tpu.memory_space<vmem>>
        %dma_wait3A_124 = tpu.memref_squeeze %dma_wait3A_123 : memref<1x128xi32, #tpu.memory_space<vmem>> -> memref<128xi32, #tpu.memory_space<vmem>>
        %dma_wait3A_125 = arith.constant 0 : i32
        %dma_wait3A_126 = arith.constant 0 : i32
        %dma_wait3A_127 = tpu.memref_slice %arg8[%dma_wait3A_125, %dma_wait3A_126] : memref<10240x128xf32, #tpu.memory_space<vmem_shared>> -> memref<10240x128xf32, #tpu.memory_space<vmem_shared>>
        tpu.wait_indirect_dma semaphore(%run_scoped3A : memref<!tpu.dma_semaphore, #tpu.memory_space<semaphore_mem>>) src(%arg6 : memref<128x128xf32, #tpu.memory_space<vmem>>) dst(%dma_wait3A_127 : memref<10240x128xf32, #tpu.memory_space<vmem_shared>>)
        tpu.yield
      }) : () -> ()
      %add3A_107 = arith.constant 3 : i32
      %add3A_108 = arith.addi %mul3A_83, %add3A_107 : i32
      %mul3A_109 = arith.constant 128 : i32
      %mul3A_110 = arith.muli %add3A_108, %mul3A_109 : i32
      %add3A_111 = arith.addi %mul3A_22, %mul3A_110 : i32
      %dma_start3A_112 = arith.constant 0 : i32
      %dma_start3A_113 = tpu.memref_slice %arg2[%add3A_111, %dma_start3A_112] : memref<320000x128xf32, #tpu.memory_space<hbm>> -> memref<128x128xf32, #tpu.memory_space<hbm>>
      %dma_start3A_114 = arith.constant 0 : i32
      %dma_start3A_115 = tpu.memref_slice %arg2[%add3A_111, %dma_start3A_114] : memref<320000x128xf32, #tpu.memory_space<hbm>> -> memref<128x128xf32, #tpu.memory_space<hbm>>
      tpu.enqueue_dma source(%dma_start3A_115 : memref<128x128xf32, #tpu.memory_space<hbm>>) target(%arg6 : memref<128x128xf32, #tpu.memory_space<vmem>>) target_semaphore(%arg10 : memref<!tpu.dma_semaphore, #tpu.memory_space<semaphore_mem>>)
    }
    %sub3A_65 = arith.constant 2 : i32
    %sub3A_66 = arith.subi %select_n3A, %sub3A_65 : i32
    %dma_wait3A = arith.constant 0 : i32
    %dma_wait3A_67 = arith.constant 0 : i32
    %dma_wait3A_68 = tpu.memref_slice %arg2[%dma_wait3A, %dma_wait3A_67] : memref<320000x128xf32, #tpu.memory_space<hbm>> -> memref<128x128xf32, #tpu.memory_space<hbm>>
    %dma_wait3A_69 = arith.constant 0 : i32
    %dma_wait3A_70 = arith.constant 0 : i32
    %dma_wait3A_71 = tpu.memref_slice %arg2[%dma_wait3A_69, %dma_wait3A_70] : memref<320000x128xf32, #tpu.memory_space<hbm>> -> memref<128x128xf32, #tpu.memory_space<hbm>>
    tpu.wait_dma2 semaphore(%arg9 : memref<!tpu.dma_semaphore, #tpu.memory_space<semaphore_mem>>) src(%dma_wait3A_71 : memref<128x128xf32, #tpu.memory_space<hbm>>) dst(%arg5 : memref<128x128xf32, #tpu.memory_space<vmem>>)
    "tpu.region"() ({
      %run_scoped3A = tpu.sem_alloc : memref<!tpu.dma_semaphore, #tpu.memory_space<semaphore_mem>>
      %dma_start3A_81 = arith.constant 0 : i32
      %dma_start3A_82 = tpu.memref_slice %arg7[%sub3A_66, %dma_start3A_81] : memref<80x128xi32, #tpu.memory_space<vmem>> -> memref<1x128xi32, #tpu.memory_space<vmem>>
      %dma_start3A_83 = tpu.memref_squeeze %dma_start3A_82 : memref<1x128xi32, #tpu.memory_space<vmem>> -> memref<128xi32, #tpu.memory_space<vmem>>
      %dma_start3A_84 = arith.constant 0 : i32
      %dma_start3A_85 = arith.constant 0 : i32
      %dma_start3A_86 = tpu.memref_slice %arg8[%dma_start3A_84, %dma_start3A_85] : memref<10240x128xf32, #tpu.memory_space<vmem_shared>> -> memref<10240x128xf32, #tpu.memory_space<vmem_shared>>
      tpu.enqueue_indirect_dma source(%arg5 : memref<128x128xf32, #tpu.memory_space<vmem>>) target(%dma_start3A_86 : memref<10240x128xf32, #tpu.memory_space<vmem_shared>>) offsets(%dma_start3A_83 : memref<128xi32, #tpu.memory_space<vmem>>) semaphore(%run_scoped3A : memref<!tpu.dma_semaphore, #tpu.memory_space<semaphore_mem>>) {add = true}
      %dma_wait3A_87 = arith.constant 0 : i32
      %dma_wait3A_88 = tpu.memref_slice %arg7[%sub3A_66, %dma_wait3A_87] : memref<80x128xi32, #tpu.memory_space<vmem>> -> memref<1x128xi32, #tpu.memory_space<vmem>>
      %dma_wait3A_89 = tpu.memref_squeeze %dma_wait3A_88 : memref<1x128xi32, #tpu.memory_space<vmem>> -> memref<128xi32, #tpu.memory_space<vmem>>
      %dma_wait3A_90 = arith.constant 0 : i32
      %dma_wait3A_91 = arith.constant 0 : i32
      %dma_wait3A_92 = tpu.memref_slice %arg8[%dma_wait3A_90, %dma_wait3A_91] : memref<10240x128xf32, #tpu.memory_space<vmem_shared>> -> memref<10240x128xf32, #tpu.memory_space<vmem_shared>>
      tpu.wait_indirect_dma semaphore(%run_scoped3A : memref<!tpu.dma_semaphore, #tpu.memory_space<semaphore_mem>>) src(%arg5 : memref<128x128xf32, #tpu.memory_space<vmem>>) dst(%dma_wait3A_92 : memref<10240x128xf32, #tpu.memory_space<vmem_shared>>)
      tpu.yield
    }) : () -> ()
    %dma_wait3A_72 = arith.constant 0 : i32
    %dma_wait3A_73 = arith.constant 0 : i32
    %dma_wait3A_74 = tpu.memref_slice %arg2[%dma_wait3A_72, %dma_wait3A_73] : memref<320000x128xf32, #tpu.memory_space<hbm>> -> memref<128x128xf32, #tpu.memory_space<hbm>>
    %dma_wait3A_75 = arith.constant 0 : i32
    %dma_wait3A_76 = arith.constant 0 : i32
    %dma_wait3A_77 = tpu.memref_slice %arg2[%dma_wait3A_75, %dma_wait3A_76] : memref<320000x128xf32, #tpu.memory_space<hbm>> -> memref<128x128xf32, #tpu.memory_space<hbm>>
    tpu.wait_dma2 semaphore(%arg10 : memref<!tpu.dma_semaphore, #tpu.memory_space<semaphore_mem>>) src(%dma_wait3A_77 : memref<128x128xf32, #tpu.memory_space<hbm>>) dst(%arg6 : memref<128x128xf32, #tpu.memory_space<vmem>>)
    %add3A_78 = arith.constant 1 : i32
    %add3A_79 = arith.addi %sub3A_66, %add3A_78 : i32
    "tpu.region"() ({
      %run_scoped3A = tpu.sem_alloc : memref<!tpu.dma_semaphore, #tpu.memory_space<semaphore_mem>>
      %dma_start3A_81 = arith.constant 0 : i32
      %dma_start3A_82 = tpu.memref_slice %arg7[%add3A_79, %dma_start3A_81] : memref<80x128xi32, #tpu.memory_space<vmem>> -> memref<1x128xi32, #tpu.memory_space<vmem>>
      %dma_start3A_83 = tpu.memref_squeeze %dma_start3A_82 : memref<1x128xi32, #tpu.memory_space<vmem>> -> memref<128xi32, #tpu.memory_space<vmem>>
      %dma_start3A_84 = arith.constant 0 : i32
      %dma_start3A_85 = arith.constant 0 : i32
      %dma_start3A_86 = tpu.memref_slice %arg8[%dma_start3A_84, %dma_start3A_85] : memref<10240x128xf32, #tpu.memory_space<vmem_shared>> -> memref<10240x128xf32, #tpu.memory_space<vmem_shared>>
      tpu.enqueue_indirect_dma source(%arg6 : memref<128x128xf32, #tpu.memory_space<vmem>>) target(%dma_start3A_86 : memref<10240x128xf32, #tpu.memory_space<vmem_shared>>) offsets(%dma_start3A_83 : memref<128xi32, #tpu.memory_space<vmem>>) semaphore(%run_scoped3A : memref<!tpu.dma_semaphore, #tpu.memory_space<semaphore_mem>>) {add = true}
      %dma_wait3A_87 = arith.constant 0 : i32
      %dma_wait3A_88 = tpu.memref_slice %arg7[%add3A_79, %dma_wait3A_87] : memref<80x128xi32, #tpu.memory_space<vmem>> -> memref<1x128xi32, #tpu.memory_space<vmem>>
      %dma_wait3A_89 = tpu.memref_squeeze %dma_wait3A_88 : memref<1x128xi32, #tpu.memory_space<vmem>> -> memref<128xi32, #tpu.memory_space<vmem>>
      %dma_wait3A_90 = arith.constant 0 : i32
      %dma_wait3A_91 = arith.constant 0 : i32
      %dma_wait3A_92 = tpu.memref_slice %arg8[%dma_wait3A_90, %dma_wait3A_91] : memref<10240x128xf32, #tpu.memory_space<vmem_shared>> -> memref<10240x128xf32, #tpu.memory_space<vmem_shared>>
      tpu.wait_indirect_dma semaphore(%run_scoped3A : memref<!tpu.dma_semaphore, #tpu.memory_space<semaphore_mem>>) src(%arg6 : memref<128x128xf32, #tpu.memory_space<vmem>>) dst(%dma_wait3A_92 : memref<10240x128xf32, #tpu.memory_space<vmem_shared>>)
      tpu.yield
    }) : () -> ()
    %barrier3A_80 = arith.constant 0 : index
    tpu.barrier barrier_id(%barrier3A_80)
    "tpu.region"() ({
      %run_scoped3A = tpu.sem_alloc : memref<!tpu.dma_semaphore, #tpu.memory_space<semaphore_mem>>
      %dma_start3A_81 = arith.constant 0 : i32
      %dma_start3A_82 = tpu.memref_slice %arg4[%arg0, %mul3A_8, %dma_start3A_81] : memref<2x10240x128xf32, #tpu.memory_space<hbm>> -> memref<1x640x128xf32, #tpu.memory_space<hbm>>
      %dma_start3A_83 = tpu.memref_squeeze %dma_start3A_82 : memref<1x640x128xf32, #tpu.memory_space<hbm>> -> memref<640x128xf32, #tpu.memory_space<hbm>>
      %dma_start3A_84 = arith.constant 0 : i32
      %dma_start3A_85 = tpu.memref_slice %arg8[%mul3A_8, %dma_start3A_84] : memref<10240x128xf32, #tpu.memory_space<vmem_shared>> -> memref<640x128xf32, #tpu.memory_space<vmem_shared>>
      tpu.enqueue_dma source(%dma_start3A_85 : memref<640x128xf32, #tpu.memory_space<vmem_shared>>) target(%dma_start3A_83 : memref<640x128xf32, #tpu.memory_space<hbm>>) target_semaphore(%run_scoped3A : memref<!tpu.dma_semaphore, #tpu.memory_space<semaphore_mem>>)
      %dma_wait3A_86 = arith.constant 0 : i32
      %dma_wait3A_87 = tpu.memref_slice %arg4[%arg0, %mul3A_8, %dma_wait3A_86] : memref<2x10240x128xf32, #tpu.memory_space<hbm>> -> memref<1x640x128xf32, #tpu.memory_space<hbm>>
      %dma_wait3A_88 = tpu.memref_squeeze %dma_wait3A_87 : memref<1x640x128xf32, #tpu.memory_space<hbm>> -> memref<640x128xf32, #tpu.memory_space<hbm>>
      %dma_wait3A_89 = arith.constant 0 : i32
      %dma_wait3A_90 = tpu.memref_slice %arg8[%mul3A_8, %dma_wait3A_89] : memref<10240x128xf32, #tpu.memory_space<vmem_shared>> -> memref<640x128xf32, #tpu.memory_space<vmem_shared>>
      tpu.wait_dma2 semaphore(%run_scoped3A : memref<!tpu.dma_semaphore, #tpu.memory_space<semaphore_mem>>) src(%dma_wait3A_90 : memref<640x128xf32, #tpu.memory_space<vmem_shared>>) dst(%dma_wait3A_88 : memref<640x128xf32, #tpu.memory_space<hbm>>)
      tpu.yield
    }) : () -> ()
    return
  }
}

module attributes {stable_mosaic.version = 14 : i64} {
  func.func @_combine_kernel(%arg0: i32, %arg1: memref<2x2000x128xf32, #tpu.memory_space<vmem>>, %arg2: memref<2000x128xf32, #tpu.memory_space<vmem>>) attributes {dimension_semantics = [#tpu.dimension_semantics<arbitrary>], iteration_bounds = array<i64: 5>, scalar_prefetch = 0 : i64, scratch_operands = 0 : i64, tpu.core_type = #tpu.core_type<tc>, window_params = [{transform_indices = @transform_0, window_bounds = array<i64: 2, 2000, 128>}, {transform_indices = @transform_1, window_bounds = array<i64: 2000, 128>}]} {
    %get3A = arith.constant 0 : index
    %get3A_0 = arith.constant 0 : index
    %get3A_1 = arith.constant 0 : index
    %get3A_2 = vector.load %arg1[%get3A, %get3A_0, %get3A_1] : memref<2x2000x128xf32, #tpu.memory_space<vmem>>, vector<1x2000x128xf32>
    %get3A_3 = vector.shape_cast %get3A_2 : vector<1x2000x128xf32> to vector<2000x128xf32>
    %get3A_4 = arith.constant 1 : index
    %get3A_5 = arith.constant 0 : index
    %get3A_6 = arith.constant 0 : index
    %get3A_7 = vector.load %arg1[%get3A_4, %get3A_5, %get3A_6] : memref<2x2000x128xf32, #tpu.memory_space<vmem>>, vector<1x2000x128xf32>
    %get3A_8 = vector.shape_cast %get3A_7 : vector<1x2000x128xf32> to vector<2000x128xf32>
    %add3A = arith.addf %get3A_3, %get3A_8 : vector<2000x128xf32>
    %swap3A = arith.constant 0 : index
    %swap3A_9 = arith.constant 0 : index
    %swap3A_10 = vector.load %arg2[%swap3A, %swap3A_9] : memref<2000x128xf32, #tpu.memory_space<vmem>>, vector<2000x128xf32>
    tpu.vector_store %arg2[%swap3A, %swap3A_9], %add3A {strides = array<i32>} : memref<2000x128xf32, #tpu.memory_space<vmem>>, vector<2000x128xf32>,
    return
  }
  func.func @transform_0(%arg0: i32) -> (i32, i32, i32) {
    %c0_i32 = arith.constant 0 : i32
    %c0_i32_0 = arith.constant 0 : i32
    %c0_i32_1 = arith.constant 0 : i32
    return %c0_i32, %arg0, %c0_i32_0 : i32, i32, i32
  }
  func.func @transform_1(%arg0: i32) -> (i32, i32) {
    %c0_i32 = arith.constant 0 : i32
    %c0_i32_0 = arith.constant 0 : i32
    return %arg0, %c0_i32 : i32, i32
  }
}

</mosaic_0001>

<sc_bundles>
// kernel: kernel.4.cloned.1.call-start
scs
__scs_entry_jumppad:
0x0: {  	(pc) =	sbr.rel $0x88, $3  }
0x1: {  	(tag) =	ssettag $0x0;
	lr =	simm.s32 $0x1  }
0x2: {  	[smem:$0x3F9F] =	sst lr;
	_ =	strace $0xD0000000  }
0x3: {  	_ = 	snop  }
0x4: {  	_ = 	snop  }
0x5: {  	_ = 	snop  }
0x6: {  	_ = 	snop  }
0x7: {  	_ = 	snop  }
__scs_overlays_trampoline_lowered:
0x8: {  	[smem:$0x3FAE] =	sst s0  }
0x9: {  	[smem:$0x3FAF] =	sst s1  }
0xa: {  	[smem:$0x3FB0] =	sst s2  }
0xb: {  	[smem:$0x3FB1] =	sst s3  }
0xc: {  	[smem:$0x3FB2] =	sst s4  }
0xd: {  	[smem:$0x3FB3] =	sst s5  }
0xe: {  	[smem:$0x3FB4] =	sst s6  }
0xf: {  	[smem:$0x3FB5] =	sst s7  }
0x10: {  	[smem:$0x3FB6] =	sst s8  }
0x11: {  	[smem:$0x3FB7] =	sst s9;
	s0 =	simm.s32 @!p0 $0x0  }
0x12: {  	s1 =	sld [smem:$0x3F9D];
	s0 =	simm.s32 @p0 $0x1  }
0x13: {  	[smem:$0x3FB8] =	sst s0;
	s0 =	simm.s32 @!p1 $0x0  }
0x14: {  	s2 =	sld [smem:$0x3F9C];
	s0 =	simm.s32 @p1 $0x1  }
0x15: {  	[smem:$0x3FB9] =	sst s0;
	s0 =	simm.s32 @!p2 $0x0  }
0x16: {  	s3 =	sld [smem:$0x3FDB];
	s0 =	simm.s32 @p2 $0x1  }
0x17: {  	s4 =	simm.s32 $0x1BF5;
	[smem:$0x3FBB] =	sst s0  }
0x18: {  	s0 =	sld [smem:$0x3F9E];
	_ =	swait.ge [sflag:s4], $0x0  }
0x19: {  	s7 =	sld [smem:$0x3F9F]  }
0x1a: {  	s8 =	sadd.s32 $0xFFFFE003, lr  }
0x1b: {  	s9 =	sadd.s32 $0xFFFFFEF7, lr;
	s5 =	simm.s32 $0xFFFFFFFF;
	p2 =	slt.u32 s8, $0xFFFFF086  }
0x1c: {  	p1 =	slt.u32 s9, $0xF7A;
	s5 =	simm.s32 @!p2 $0x0  }
0x1d: {  	s5 =	simm.s32 @p1 $0x1;
	p0 =	seq.s32 s7, s2  }
0x1e: {  	s7 =	smul.u32 @!p0 $0xF7A, s2;
	p2 =	seq.s32 @!p0 s5, $0x0  }
0x1f: {  	s9 =	smul.u32 $0xF7A, s1;
	s8 =	simm.s32 @!p0 $0x1BF5;
	p2 =	por !p2, p0  }
0x20: {  	[sflag:s8] =	ssyncset.s32 @!p0 $0xFFFFF086;
	s6 =	sadd.s32 @!p0 s3, s7;
	s7 =	simm.s32 @!p0 $0x108  }
0x21: {  	s3 =	sadd.s32 s3, s9;
	s6 =	sadd.s32 @!p0 $0x88, s6;
	s7 =	simm.s32 @p2 $0x1082  }
0x22: {  	[simem:s7], [sflag:s8] =	dma.local @!p0 [hbm:s6], $0xF7A  }
0x23: {  	s9 =	sor.u32 $0xD0000000, s2;
	s6 =	simm.s32 $0x108;
	_ =	swait.ge @!p0 [sflag:s8], $0x0  }
0x24: {  	s3 =	sadd.s32 $0x88, s3;
	s6 =	simm.s32 @!p1 $0x1082;
	[sflag:s4] =	ssyncset.s32 $0xFFFFF086  }
0x25: {  	[simem:s6], [sflag:s4] =	dma.local [hbm:s3], $0xF7A  }
0x26: {  	[smem:$0x3F9F] =	sst s1;
	(tag) =	ssettag s2;
	_ =	strace s9  }
0x27: {  	s1 =	sld [smem:$0x3FAF]  }
0x28: {  	s2 =	sld [smem:$0x3FB0]  }
0x29: {  	s4 =	sld [smem:$0x3FB2]  }
0x2a: {  	p0 =	seq.s32 s5, $0x0;
	s5 =	sld [smem:$0x3FB3]  }
0x2b: {  	s6 =	sld [smem:$0x3FB4]  }
0x2c: {  	s7 =	sld [smem:$0x3FB5]  }
0x2d: {  	s3 =	simm.s32 $0x108;
	s8 =	sld [smem:$0x3FB6]  }
0x2e: {  	s3 =	simm.s32 @!p0 $0x1082;
	s9 =	sld [smem:$0x3FB7]  }
0x2f: {  	lr =	sadd.s32 s0, s3;
	s0 =	sld [smem:$0x3FAE]  }
0x30: {  	s3 =	sld [smem:$0x3FB1]  }
0x31: {  	[smem:$0x3FBA] =	sst s10  }
0x32: {  	s10 =	sld [smem:$0x3FB8];
	_ =	sdelay $0x3  }
0x33: {  	p0 =	seq.s32 s10, $0x1;
	s10 =	sld [smem:$0x3FBA];
	_ =	sdelay $0x3  }
0x34: {  	[smem:$0x3FBA] =	sst s10  }
0x35: {  	s10 =	sld [smem:$0x3FB9];
	_ =	sdelay $0x3  }
0x36: {  	p1 =	seq.s32 s10, $0x1;
	s10 =	sld [smem:$0x3FBA];
	_ =	sdelay $0x3  }
0x37: {  	[smem:$0x3FBA] =	sst s10  }
0x38: {  	s10 =	sld [smem:$0x3FBB]  }
0x39: {  	_ = 	snop;
	(pc) =	sbr.ind lr, $3  }
0x3a: {  	_ = 	snop  }
0x3b: {  	_ = 	snop  }
0x3c: {  	p2 =	seq.s32 s10, $0x1;
	s10 =	sld [smem:$0x3FBA]  }
0x3d: {  	_ =	shalt  }
0x3e: {  	_ =	shalt  }
0x3f: {  	_ =	shalt  }
0x40: {  	_ =	shalt  }
0x41: {  	_ =	shalt  }
0x42: {  	_ =	shalt  }
0x43: {  	_ =	shalt  }
0x44: {  	_ =	shalt  }
0x45: {  	_ =	shalt  }
0x46: {  	_ =	shalt  }
0x47: {  	_ =	shalt  }
0x48: {  	_ =	shalt  }
0x49: {  	_ =	shalt  }
0x4a: {  	_ =	shalt  }
0x4b: {  	_ =	shalt  }
0x4c: {  	_ =	shalt  }
0x4d: {  	_ =	shalt  }
0x4e: {  	_ =	shalt  }
0x4f: {  	_ =	shalt  }
0x50: {  	_ =	shalt  }
0x51: {  	_ =	shalt  }
0x52: {  	_ =	shalt  }
0x53: {  	_ =	shalt  }
0x54: {  	_ =	shalt  }
0x55: {  	_ =	shalt  }
0x56: {  	_ =	shalt  }
0x57: {  	_ =	shalt  }
0x58: {  	_ =	shalt  }
0x59: {  	_ =	shalt  }
0x5a: {  	_ =	shalt  }
0x5b: {  	_ =	shalt  }
0x5c: {  	_ =	shalt  }
0x5d: {  	_ =	shalt  }
0x5e: {  	_ =	shalt  }
0x5f: {  	_ =	shalt  }
0x60: {  	_ =	shalt  }
0x61: {  	_ =	shalt  }
0x62: {  	_ =	shalt  }
0x63: {  	_ =	shalt  }
0x64: {  	_ =	shalt  }
0x65: {  	_ =	shalt  }
0x66: {  	_ =	shalt  }
0x67: {  	_ =	shalt  }
0x68: {  	_ =	shalt  }
0x69: {  	_ =	shalt  }
0x6a: {  	_ =	shalt  }
0x6b: {  	_ =	shalt  }
0x6c: {  	_ =	shalt  }
0x6d: {  	_ =	shalt  }
0x6e: {  	_ =	shalt  }
0x6f: {  	_ =	shalt  }
0x70: {  	_ =	shalt  }
0x71: {  	_ =	shalt  }
0x72: {  	_ =	shalt  }
0x73: {  	_ =	shalt  }
0x74: {  	_ =	shalt  }
0x75: {  	_ =	shalt  }
0x76: {  	_ =	shalt  }
0x77: {  	_ =	shalt  }
0x78: {  	_ =	shalt  }
0x79: {  	_ =	shalt  }
0x7a: {  	_ =	shalt  }
0x7b: {  	_ =	shalt  }
0x7c: {  	_ =	shalt  }
0x7d: {  	_ =	shalt  }
0x7e: {  	_ =	shalt  }
0x7f: {  	_ =	shalt  }
0x80: {  	_ =	shalt  }
0x81: {  	_ =	shalt  }
0x82: {  	_ =	shalt  }
0x83: {  	_ =	shalt  }
0x84: {  	_ =	shalt  }
0x85: {  	_ =	shalt  }
0x86: {  	_ =	shalt  }
0x87: {  	_ =	shalt  }
.Lfunc_end0:
.L_simem_size_0:
called_computation_lowered:
.L_overlay_start_0:
0x88: {  	s2 =	sld [smem:$0x3FD9]  }
0x89: {  	s3 =	sld [smem:$0x3FFE];
	_ =	sdelay $0x1  }
0x8a: {  	s1 =	srdreg.scid  }
0x8b: {  	s0 =	sand.u32 $0x1, s1  }
0x8c: {  	s17 =	sshll.u32 s0, $0xA;
	s2 =	sadd.s32 s3, s2  }
0x8d: {  	s2 =	sadd.s32 s2, s17  }
0x8e: {  	[smem:$0x3FC6] =	sst s2  }
0x8f: {  	_ = 	snop  }
0x90: {  	s2 =	sld [smem:$0x3FC9]  }
0x91: {  	s18 =	sld [smem:$0x3FD0];
	(tm) =	ssettm $0x1  }
0x92: {  	s4 =	sld [smem:$0x3FFB];
	_ =	sdelay $0x3  }
0x93: {  	_ =	strace s4  }
0x94: {  	s4 =	sld [smem:$0x3FFC];
	_ =	sdelay $0x3  }
0x95: {  	_ =	strace s4  }
0x96: {  	s4 =	sld [smem:$0x3FFD];
	_ =	sdelay $0x3  }
0x97: {  	_ =	strace s4  }
0x98: {  	_ =	strace $0x8FFFFFFF  }
0x99: {  	s19 =	sld [smem:$0x3FDB];
	_ =	sdelay $0x1  }
0x9a: {  	s5 =	simm.s32 $_scs_section_size  }
0x9b: {  	s6 =	simm.s32 $_size__tile_overlayer_lowered;
	s7 =	simm.s32 $_tile_overlayer_lowered  }
0x9c: {  	s22 =	simm.s32 $0x1BFF;
	s21 =	sshll.u32 s7, $0x1;
	s4 =	sadd.s32 s5, s19  }
0x9d: {  	s8 =	simm.s32 $0x0;
	s20 =	sshll.u32 s6, $0x1;
	s6 =	sadd.s32 s21, s4  }
0x9e: {  	[timem:s8], [sflag:s22] =	dma.local [hbm:s6], s20  }
0x9f: {  	_ =	swait.ge [sflag:s22], s20  }
0xa0: {  	s5 =	ssub.s32 $0x0, s20;
	[sflag:s22] =	ssyncset.done $0x0  }
0xa1: {  	[sflag:s22] =	ssyncadd.s32 s5;
	_ =	sdelay $0x1  }
0xa2: {  	s23 =	simm.s32 $0x1B8B  }
0xa3: {  	_ =	swait.ge [sflag:s23], $0x1  }
0xa4: {  	[sflag:s23] =	ssyncset.done $0x0  }
0xa5: {  	s25 =	simm.s32 $0x1B8E;
	s24 =	sld [smem:$0x3FFE];
	[sflag:s23] =	ssyncadd.s32 $0xFFFFFFFF  }
0xa6: {  	s26 =	simm.s32 $execute0_lowered;
	[smem:$0x3FD2] =	sst s25  }
0xa7: {  	s6 =	sshll.u32 s26, $0x1;
	_ =	strace $0x80000046;
	[dreg:$0x1] =	wrdreg $0xFFFFFFFF  }
0xa8: {  	s28 =	simm.s32 $_size_execute0_lowered;
	s4 =	sadd.s32 s4, s6;
	[dreg:$0x0] =	wrdreg $0x0  }
0xa9: {  	s6 =	sshll.u32 s28, $0x1;
	[dreg:$0x2] =	wrdreg s4  }
0xaa: {  	[dreg:$0x3] =	wrdreg s6  }
0xab: {  	[dreg:$0x4] =	wrdreg $0xC0  }
0xac: {  	_ =	task [dreg:s8], $0x5FFFF  }
0xad: {  	[dreg:$0x1] =	wrdreg $0xFFFFFFFF  }
0xae: {  	[dreg:$0x0] =	wrdreg $0x60  }
0xaf: {  	[dreg:$0x2] =	wrdreg s2  }
0xb0: {  	[dreg:$0x3] =	wrdreg s18  }
0xb1: {  	[dreg:$0x4] =	wrdreg s24  }
0xb2: {  	[dreg:$0x5] =	wrdreg $0xA8000  }
0xb3: {  	[dreg:$0x6] =	wrdreg $0x9  }
0xb4: {  	_ =	task.clear_ibuf [dreg:s8], $0x7FFFF;
	_ =	strace $0x90000046  }
0xb5: {  	s29 =	simm.s32 $0x9;
	_ =	strace $0x80000048  }
0xb6: {  	_ =	swait.ge [sflag:s29], $0x1  }
0xb7: {  	[sflag:s29] =	ssyncadd.s32 $0xFFFFFFFF  }
0xb8: {  	_ =	strace $0x90000048  }
0xb9: {  	_ =	sfence  }
0xba: {  	s30 =	sld [smem:$0x0];
	_ =	sdelay $0x2  }
0xbb: {  	s31 =	sshll.u32 s1, $0xD;
	s1 =	sshrl.u32 s1, $0x2  }
0xbc: {  	s3 =	sand.u32 $0x4000, s31;
	s1 =	sadd.s32 s1, s30  }
0xbd: {  	s0 =	sor.u32 s3, s0;
	s1 =	sshll.u32 s1, $0x11  }
0xbe: {  	s0 =	sor.u32 s1, s0  }
0xbf: {  	s0 =	sadd.s32 $0x8F2B, s0  }
0xc0: {  	[sflag:s0] =	ssyncadd.remote.s32 $0x1  }
0xc1: {  	_ =	sfence.sel $0xFFFF  }
0xc2: {  	[dreg:$0x0] =	wrdreg $0xFFFFFFFF;
	(pc) =	sbr.abs _section_cstart, $3  }
0xc3: {  	[dreg:$0x1] =	wrdreg $0xFFFFFFFF  }
0xc4: {  	_ =	task.clear_ibuf [dreg:s8], $0x2FFFF;
	_ =	strace $0x9FFFFFFF  }
0xc5: {  	(tm) =	ssettm $0x7FFFFFFF  }
tec
execute0_lowered:
.L_overlay_start_1:
0x0: {  	(tag) =	ssettag $0x1  }
0x1: {  	s14 =	rddreg [dreg:$0x0]  }
0x2: {  	s10 =	rddreg [dreg:$0x1]  }
0x3: {  	s5 =	rddreg [dreg:$0x2]  }
0x4: {  	s2 =	rddreg [dreg:$0x3]  }
0x5: {  	s0 =	srdreg.scid;
	s1 =	rddreg [dreg:$0x4]  }
0x6: {  	s3 =	simm.s32 $0x0;
	s18 =	simm.s32 $0x14;
	s12 =	sand.u32 $0x1, s0  }
0x7: {  	s21 =	simm.s32 $0x1;
	s0 =	stileid.u32;
	s4 =	smul.u32 $0x140000, s12  }
0x8: {  	s22 =	simm.s32 $0x80;
	s23 =	simm.s32 $0x2;
	s6 =	smul.u32 $0x14000, s0  }
0x9: {  	s24 =	simm.s32 $0x0;
	[smem:$0x7FF] =	sst s3;
	s15 =	smul.u32 $0x50000, s0  }
0xa: {  	_ =	strace $0x80000047;
	s25 =	ssub.s32 $0x2, s12;
	s28 =	sshll.u32 s0, $0x1  }
0xb: {  	s30 =	smul.u32 $0x28000, s12;
	s26 =	sshrl.u32 s25, $0x1;
	s9 =	sor.u32 s12, s28  }
0xc: {  	s4 =	sadd.s32 s6, s4;
	s7 =	sshrl.u32 s15, $0x2;
	s11 =	smul.u32 $0x28000, s9  }
0xd: {  	s17 =	ssub.s32 s25, s26;
	s13 =	smul.u32 $0x500, s9;
	p0 =	seq.s32 s9, $0x1F  }
0xe: {  	s20 =	sadd.s32 s15, s14;
	s4 =	sshrl.u32 s4, $0x3;
	s18 =	simm.s32 @!p0 $0x50  }
0xf: {  	s15 =	smax.u32 s17, $0x1;
	s31 =	sadd.s32 s30, s20;
	s20 =	simm.s32 $0x4000  }
0x10: {  	s16 =	sadd.s32 s4, s5;
	s4 =	sadd.s32 s7, s2;
	s9 =	sadd.s32 s14, s11  }
0x11: {  	s10 =	sadd.s32 s10, s13;
	s19 =	sshrl.u32 s18, $0x1;
	s29 =	sshll.u32 s18, $0x7  }
0x12: {  	s17 =	sadd.s32 $0x1800, s31;
	s18 =	simm.s32 $0x3;
	s5 =	sadd.s32 $0x4000, s4  }
0x13: {  	s6 =	sadd.s32 $0x8000, s4;
	s7 =	sadd.s32 $0xC000, s4;
	s8 =	sadd.s32 $0x10000, s4  }
0x14: {  	s11 =	sadd.s32 $0x800, s9;
	s12 =	sadd.s32 $0x7F00, s29;
	s13 =	sadd.s32 $0x7F80, s29  }
0x15: {  	v0 =	vimm.f32 $0.0e+00;
	s14 =	sadd.s32 $0x600, s16;
	s16 =	sadd.s32 $0xFFFFFFFF, s19;
	s19 =	simm.s32 $0x8000  }
.LBB2_1:
0x16: {  	s25 =	simm.s32 $0x0;
	s26 =	simm.s32 $0x200  }
.LBB2_2:
0x17: {  	p0 =	sne.s32 s26, $0xFE00;
	[tilespmem:s25+$0x70] =	vst v0  }
0x18: {  	[tilespmem:s25+$0x0] =	vst v0  }
0x19: {  	[tilespmem:s25+$0x10] =	vst v0  }
.Ltmp0:
0x1a: {  	[tilespmem:s25+$0x20] =	vst v0;
	(pc) =	sbr.rel @p0 .LBB2_2-.Ltmp0, $4  }
0x1b: {  	[tilespmem:s25+$0x30] =	vst v0  }
0x1c: {  	[tilespmem:s25+$0x40] =	vst v0  }
0x1d: {  	[tilespmem:s25+$0x50] =	vst v0  }
0x1e: {  	[tilespmem:s25+$0x60] =	vst v0;
	s25 =	sshra.s32 s26, $0x2;
	s26 =	sadd.s32 $0x200, s26  }
0x1f: {  	[tilespmem:s25+$0x70] =	vst v0  }
0x20: {  	[tilespmem:s25+$0x0] =	vst v0  }
0x21: {  	[tilespmem:s25+$0x10] =	vst v0  }
0x22: {  	[tilespmem:s25+$0x20] =	vst v0  }
0x23: {  	[tilespmem:s25+$0x30] =	vst v0  }
0x24: {  	[tilespmem:s25+$0x40] =	vst v0  }
0x25: {  	[tilespmem:s25+$0x50] =	vst v0  }
0x26: {  	[tilespmem:s25+$0x60] =	vst v0  }
0x27: {  	[spmem:s4] =	stream.linear.scatter [tilespmem:s3], [sflag:$0x3], $0x4000, $0x38;
	[tilespmem:$0x1E800] =	vst v63  }
0x28: {  	_ =	swait.ge [sflag:s18], $0x4000  }
0x29: {  	[sflag:s18] =	ssyncset.done $0x0  }
0x2a: {  	[sflag:s18] =	ssyncadd.s32 $0xFFFFC000  }
0x2b: {  	[spmem:s5] =	stream.linear.scatter [tilespmem:s3], [sflag:$0x3], $0x4000, $0x38;
	[tilespmem:$0x1E800] =	vst v63  }
0x2c: {  	_ =	swait.ge [sflag:s18], $0x4000  }
0x2d: {  	[sflag:s18] =	ssyncset.done $0x0  }
0x2e: {  	[sflag:s18] =	ssyncadd.s32 $0xFFFFC000  }
0x2f: {  	[spmem:s6] =	stream.linear.scatter [tilespmem:s3], [sflag:$0x3], $0x4000, $0x38;
	[tilespmem:$0x1E800] =	vst v63  }
0x30: {  	_ =	swait.ge [sflag:s18], $0x4000  }
0x31: {  	[sflag:s18] =	ssyncset.done $0x0  }
0x32: {  	[sflag:s18] =	ssyncadd.s32 $0xFFFFC000  }
0x33: {  	[spmem:s7] =	stream.linear.scatter [tilespmem:s3], [sflag:$0x3], $0x4000, $0x38;
	[tilespmem:$0x1E800] =	vst v63  }
0x34: {  	_ =	swait.ge [sflag:s18], $0x4000  }
0x35: {  	[sflag:s18] =	ssyncset.done $0x0  }
0x36: {  	[sflag:s18] =	ssyncadd.s32 $0xFFFFC000  }
0x37: {  	[spmem:s8] =	stream.linear.scatter [tilespmem:s3], [sflag:$0x3], $0x4000, $0x38;
	[tilespmem:$0x1E800] =	vst v63  }
0x38: {  	_ =	swait.ge [sflag:s18], $0x4000  }
0x39: {  	[sflag:s18] =	ssyncset.done $0x0  }
0x3a: {  	[sflag:s18] =	ssyncadd.s32 $0xFFFFC000  }
0x3b: {  	[bflag:$0x0] =	sbarrier.arrive $0xFFFF  }
0x3c: {  	[tilespmem:s19], [sflag:$0x3] =	stream.linear.gather [hbm4b:s10+s3], $0x2800, $0x38;
	[tilespmem:$0x1E800] =	vst v63  }
0x3d: {  	_ =	swait.ge [sflag:s18], $0x2800  }
0x3e: {  	[sflag:s18] =	ssyncset.done $0x0  }
0x3f: {  	[sflag:s18] =	ssyncadd.s32 $0xFFFFD800  }
0x40: {  	[tilespmem:s3], [sflag:$0x1] =	stream.linear.gather [hbm4b:s9+s3], $0x4000, $0x38;
	[tilespmem:$0x1E800] =	vst v63  }
0x41: {  	_ = 	snop  }
0x42: {  	[tilespmem:s20], [sflag:$0x2] =	stream.linear.gather [hbm4b:s11+s3], $0x4000, $0x38;
	[tilespmem:$0x1E800] =	vst v63  }
0x43: {  	_ =	swait.ge [sflag:s21], $0x4000  }
0x44: {  	[sflag:s21] =	ssyncset.done $0x0  }
0x45: {  	s26 =	simm.s32 $0x8000;
	[sflag:s21] =	ssyncadd.s32 $0xFFFFC000  }
0x46: {  	[spmem:s2] =	stream.indirect.scatter.add.f32 [tilespmem:s3], [sflag:$0x3], $0x80, s26, s22, $0xb8;
	[tilespmem:$0x1E800] =	vst v63  }
0x47: {  	_ =	swait.ge [sflag:s18], $0x4000  }
0x48: {  	[sflag:s18] =	ssyncset.done $0x0  }
0x49: {  	s30 =	sadd.s32 $0xFFFFF800, s17;
	[sflag:s18] =	ssyncadd.s32 $0xFFFFC000  }
0x4a: {  	[tilespmem:s3], [sflag:$0x1] =	stream.linear.gather [hbm4b:s30+s3], $0x4000, $0x38;
	[tilespmem:$0x1E800] =	vst v63  }
0x4b: {  	_ =	swait.ge [sflag:s23], $0x4000  }
0x4c: {  	p0 =	sne.s32 s16, $0x1;
	[sflag:s23] =	ssyncset.done $0x0  }
.Ltmp1:
0x4d: {  	s31 =	simm.s32 $0x8080;
	[sflag:s23] =	ssyncadd.s32 $0xFFFFC000;
	(pc) =	sbr.rel @!p0 .LBB2_5-.Ltmp1, $4  }
0x4e: {  	[spmem:s2] =	stream.indirect.scatter.add.f32 [tilespmem:s20], [sflag:$0x3], $0x80, s31, s22, $0xb8;
	[tilespmem:$0x1E800] =	vst v63  }
0x4f: {  	_ =	swait.ge [sflag:s18], $0x4000  }
0x50: {  	s25 =	sadd.s32 $0xFFFFFFFF, s16;
	s28 =	simm.s32 $0x8180;
	[sflag:s18] =	ssyncset.done $0x0  }
0x51: {  	s29 =	smov.u32 s17;
	s26 =	sadd.s32 $0x1000, s17;
	[sflag:s18] =	ssyncadd.s32 $0xFFFFC000  }
.LBB2_4:
0x52: {  	[tilespmem:s20], [sflag:$0x2] =	stream.linear.gather [hbm4b:s29+s3], $0x4000, $0x38;
	[tilespmem:$0x1E800] =	vst v63  }
0x53: {  	p0 =	sne.s32 s25, $0x1;
	s25 =	sadd.s32 $0xFFFFFFFF, s25;
	_ =	swait.ge [sflag:s21], $0x4000  }
0x54: {  	s29 =	smov.u32 s26;
	[sflag:s21] =	ssyncset.done $0x0  }
0x55: {  	s30 =	sadd.s32 $0xFFFFFF80, s28;
	[sflag:s21] =	ssyncadd.s32 $0xFFFFC000  }
0x56: {  	[spmem:s2] =	stream.indirect.scatter.add.f32 [tilespmem:s3], [sflag:$0x3], $0x80, s30, s22, $0xb8;
	[tilespmem:$0x1E800] =	vst v63  }
0x57: {  	_ =	swait.ge [sflag:s18], $0x4000  }
0x58: {  	[sflag:s18] =	ssyncset.done $0x0  }
0x59: {  	s30 =	sadd.s32 $0xFFFFF800, s26;
	[sflag:s18] =	ssyncadd.s32 $0xFFFFC000  }
0x5a: {  	[tilespmem:s3], [sflag:$0x1] =	stream.linear.gather [hbm4b:s30+s3], $0x4000, $0x38;
	[tilespmem:$0x1E800] =	vst v63  }
0x5b: {  	_ =	swait.ge [sflag:s23], $0x4000  }
0x5c: {  	[sflag:s23] =	ssyncset.done $0x0  }
.Ltmp2:
0x5d: {  	[sflag:s23] =	ssyncadd.s32 $0xFFFFC000;
	(pc) =	sbr.rel @p0 .LBB2_4-.Ltmp2, $4  }
0x5e: {  	[spmem:s2] =	stream.indirect.scatter.add.f32 [tilespmem:s20], [sflag:$0x3], $0x80, s28, s22, $0xb8;
	[tilespmem:$0x1E800] =	vst v63  }
0x5f: {  	_ =	swait.ge [sflag:s18], $0x4000  }
0x60: {  	[sflag:s18] =	ssyncset.done $0x0  }
0x61: {  	s26 =	sadd.s32 $0x1000, s26;
	s28 =	sadd.s32 $0x100, s28;
	[sflag:s18] =	ssyncadd.s32 $0xFFFFC000  }
.LBB2_5:
0x62: {  	[tilespmem:s20], [sflag:$0x2] =	stream.linear.gather [hbm4b:s29+s3], $0x4000, $0x38;
	[tilespmem:$0x1E800] =	vst v63  }
0x63: {  	_ =	swait.ge [sflag:s21], $0x4000  }
0x64: {  	[sflag:s21] =	ssyncset.done $0x0  }
0x65: {  	[sflag:s21] =	ssyncadd.s32 $0xFFFFC000  }
0x66: {  	[spmem:s2] =	stream.indirect.scatter.add.f32 [tilespmem:s3], [sflag:$0x3], $0x80, s12, s22, $0xb8;
	[tilespmem:$0x1E800] =	vst v63  }
0x67: {  	_ =	swait.ge [sflag:s18], $0x4000  }
0x68: {  	[sflag:s18] =	ssyncset.done $0x0  }
0x69: {  	[sflag:s18] =	ssyncadd.s32 $0xFFFFC000  }
0x6a: {  	_ =	swait.ge [sflag:s23], $0x4000  }
0x6b: {  	[sflag:s23] =	ssyncset.done $0x0  }
0x6c: {  	[sflag:s23] =	ssyncadd.s32 $0xFFFFC000  }
0x6d: {  	[spmem:s2] =	stream.indirect.scatter.add.f32 [tilespmem:s20], [sflag:$0x3], $0x80, s13, s22, $0xb8;
	[tilespmem:$0x1E800] =	vst v63  }
0x6e: {  	_ =	swait.ge [sflag:s18], $0x4000  }
0x6f: {  	s25 =	sshll.u32 s0, $0x6;
	s24 =	sadd.s32 $0x1, s24;
	[sflag:s18] =	ssyncset.done $0x0  }
0x70: {  	s26 =	sshrl.u32 s4, $0x3;
	p0 =	sne.s32 s24, s15;
	[sflag:s18] =	ssyncadd.s32 $0xFFFFC000  }
.Ltmp3:
0x71: {  	s25 =	sor.u32 $0x1C03, s25;
	[bflag:$0x0] =	sbarrier.arrive $0xFFFF;
	(pc) =	sbr.rel @p0 .LBB2_1-.Ltmp3, $4  }
0x72: {  	[hbm:s14], [sflag:s25] =	dma.local [spmem:s26], $0x2800  }
0x73: {  	_ =	swait.ge [sflag:s18], $0x2800  }
0x74: {  	[sflag:s18] =	ssyncset.done $0x0  }
0x75: {  	[sflag:s18] =	ssyncadd.s32 $0xFFFFD800  }
0x76: {  	_ =	sfence.sel $0x180000  }
0x77: {  	[bflag:$0x0] =	sbarrier.arrive $0xFFFF  }
0x78: {  	p0 =	sne.s32 s0, $0x0;
	_ =	strace $0x90000047  }
0x79: {  	s0 =	sadd.s32 @!p0 $0x100000, s1;
	[bflag:$0x2] =	sbarrier.arrive $0xFFFF  }
0x7a: {  	[sflag:s0] =	ssyncadd.tile.s32 @!p0 $0x1;
	_ =	shalt  }
.Lfunc_end2:
_tile_overlayer_lowered:
.L_overlay_start_2:
0x7b: {  	(tag) =	ssettag $0x2  }
0x7c: {  	s0 =	rddreg [dreg:$0x0];
	s2 =	stileid.u32  }
0x7d: {  	s1 =	rddreg [dreg:$0x1];
	p0 =	sne.s32 s2, $0x0  }
0x7e: {  	s3 =	rddreg [dreg:$0x2];
	[bflag:$0x3] =	sbarrier.arrive $0xFFFF;
	s2 =	simm.s32 @!p0 $0x1C03  }
0x7f: {  	[timem:s3], [sflag:s2] =	dma.local @!p0 [hbm:s0], s1  }
0x80: {  	s0 =	simm.s32 @!p0 $0x3  }
0x81: {  	_ =	swait.ge @!p0 [sflag:s0], s1  }
0x82: {  	s1 =	ssub.s32 @!p0 $0x0, s1;
	[sflag:s0] =	ssyncset.done @!p0 $0x0  }
0x83: {  	[sflag:s0] =	ssyncadd.s32 @!p0 s1  }
0x84: {  	[bflag:$0x3] =	sbarrier.arrive $0xFFFF  }
0x85: {  	_ =	shalt  }

</sc_bundles>
